<compile_context>
chip_gen: v7x
topology: tpu7x:2x2x1
jax: 0.10.2.dev20260603
libtpu: 0.0.44.dev20260713+nightly
codegen_flags: <defaults>
</compile_context>

<pallas_src>
import functools

import jax
import jax.numpy as jnp
from jax import lax
from jax.experimental import pallas as pl
from jax.experimental.pallas import tpu as pltpu
from jax.experimental.pallas import tpu_sc as plsc


@functools.cache
def _make_lookup(BL: int, E: int, C: int):
    info = plsc.get_sparse_core_info()
    NC, NS = info.num_cores, info.num_subcores
    NW = NC * NS
    per_w = BL // NW
    n_chunks = per_w // C
    assert BL % NW == 0 and per_w % C == 0 and n_chunks % 2 == 0

    mesh = plsc.VectorSubcoreMesh(core_axis_name="c", subcore_axis_name="s")

    @functools.partial(
        pl.kernel,
        mesh=mesh,
        compiler_params=pltpu.CompilerParams(use_tc_tiling_on_sc=False),
        out_type=jax.ShapeDtypeStruct((2, BL, E), jnp.float32),
        scratch_types=[
            pltpu.VMEM((C,), jnp.int32),
            pltpu.VMEM((C,), jnp.int32),
            pltpu.VMEM((C, E), jnp.float32),
            pltpu.VMEM((C, E), jnp.float32),
            pltpu.SemaphoreType.DMA,
            pltpu.SemaphoreType.DMA,
            pltpu.SemaphoreType.DMA,
            pltpu.SemaphoreType.DMA,
        ],
    )
    def lookup(table, idx1, idx2, out, i0, i1, r0, r1, g0, g1, w0, w1):
        wid = lax.axis_index("s") * NC + lax.axis_index("c")
        base = wid * per_w

        def body(i, _):
            for s, idx in ((0, idx1), (1, idx2)):
                off0 = base + (2 * i) * C
                off1 = off0 + C
                pltpu.sync_copy(idx.at[pl.ds(off0, C)], i0)
                ga = pltpu.async_copy(table.at[i0], r0, g0)
                pltpu.sync_copy(idx.at[pl.ds(off1, C)], i1)
                gb = pltpu.async_copy(table.at[i1], r1, g1)
                ga.wait()
                wa = pltpu.async_copy(r0, out.at[s, pl.ds(off0, C)], w0)
                gb.wait()
                wb = pltpu.async_copy(r1, out.at[s, pl.ds(off1, C)], w1)
                wa.wait()
                wb.wait()
            return ()

        lax.fori_loop(0, n_chunks // 2, body, ())

    return lookup


def kernel(embeddings, input1, input2):
    b, l, nf = input1.shape
    e = embeddings.shape[1]
    BL = b * l * nf
    idx1 = input1.reshape(BL)
    idx2 = input2.reshape(BL)
    out = _make_lookup(BL, e, 1600)(embeddings, idx1, idx2)
    out128 = jax.lax.optimization_barrier(out.reshape(2 * BL * e // 128, 128))
    return out128.reshape(2, b, l, nf * e)

# --- scband reference (transcript-rebuilt; emitter-appended) ---
"""Pipeline reference for scband-similarity-model-49237505081806 (READ-ONLY COPY).

The authoritative reference and input builder live on the scoring server;
editing this copy changes nothing except your own understanding.
"""

import jax, jax.numpy as jnp
import numpy as np

VOCAB = 1000000
EMBED = 32
B = 4096
L = 200
NF = 1

def setup_inputs(seed: int = 0) -> dict:
    key = jax.random.key(seed)
    k1, k2, k3 = jax.random.split(key, 3)
    input1 = jax.random.randint(k1, (B, L, NF), 0, VOCAB, dtype=jnp.int32)
    input2 = jax.random.randint(k2, (B, L, NF), 0, VOCAB, dtype=jnp.int32)
    embeddings = jax.random.normal(k3, (VOCAB, EMBED), dtype=jnp.float32) * 0.02
    return {"embeddings": embeddings, "input1": input1, "input2": input2}

def reference(embeddings, input1, input2):
    # Faithful translation of SimilarityModel.add_embedding:
    # tf.nn.embedding_lookup(embeddings, input_placeholder) -> [B, L, NF, EMBED]
    # followed by reshape to [B, L, NF * EMBED], done for both sentence inputs.
    b, l, nf = input1.shape
    e = embeddings.shape[1]
    emb1 = jnp.take(embeddings, input1, axis=0)  # [B, L, NF, EMBED]
    emb2 = jnp.take(embeddings, input2, axis=0)  # [B, L, NF, EMBED]
    emb1 = emb1.reshape(b, l, nf * e)
    emb2 = emb2.reshape(b, l, nf * e)
    # Return both lookup results stacked (the TF code returns the tuple).
    return jnp.stack([emb1, emb2], axis=0)  # [2, B, L, NF*EMBED]

if __name__ == "__main__":
    import jax
    _d = setup_inputs()
    print(jax.jit(kernel)(*tuple(_d.values())))

</pallas_src>

<mosaic_0001>
#map = affine_map<(d0, d1) -> (0, 0)>
#map1 = affine_map<(d0, d1) -> (0)>
#map2 = affine_map<(d0, d1) -> (0, 0, 0)>
module attributes {stable_mosaic.version = 14 : i64} {
  func.func @lookup(%arg0: i32, %arg1: i32, %arg2: memref<1000000x32xf32, #tpu.memory_space<hbm>>, %arg3: memref<819200xi32, #tpu.memory_space<hbm>>, %arg4: memref<819200xi32, #tpu.memory_space<hbm>>, %arg5: memref<2x819200x32xf32, #tpu.memory_space<hbm>>, %arg6: memref<1600xi32, #tpu.memory_space<vmem>>, %arg7: memref<1600xi32, #tpu.memory_space<vmem>>, %arg8: memref<1600x32xf32, #tpu.memory_space<vmem>>, %arg9: memref<1600x32xf32, #tpu.memory_space<vmem>>, %arg10: memref<!tpu.dma_semaphore, #tpu.memory_space<semaphore_mem>>, %arg11: memref<!tpu.dma_semaphore, #tpu.memory_space<semaphore_mem>>, %arg12: memref<!tpu.dma_semaphore, #tpu.memory_space<semaphore_mem>>, %arg13: memref<!tpu.dma_semaphore, #tpu.memory_space<semaphore_mem>>) attributes {dimension_semantics = [#tpu.dimension_semantics<core_parallel>, #tpu.dimension_semantics<subcore_parallel>], iteration_bounds = array<i64: 2, 16>, scalar_prefetch = 0 : i64, scratch_operands = 8 : i64, tpu.core_type = #tpu.core_type<sc_vector_subcore>, window_params = [{transform_indices = #map}, {transform_indices = #map1}, {transform_indices = #map1}, {transform_indices = #map2}]} {
    %mul3A = arith.constant 2 : i32
    %mul3A_0 = arith.muli %arg1, %mul3A : i32
    %add3A = arith.addi %mul3A_0, %arg0 : i32
    %mul3A_1 = arith.constant 25600 : i32
    %mul3A_2 = arith.muli %add3A, %mul3A_1 : i32
    %scan3A = arith.constant 0 : i32
    %scan3A_3 = arith.constant 8 : i32
    %scan3A_4 = arith.addi %scan3A, %scan3A_3 : i32
    %scan3A_5 = arith.constant 1 : i32
    scf.for %scan3A_7 = %scan3A to %scan3A_4 step %scan3A_5  : i32 {
      %mul3A_8 = arith.constant 2 : i32
      %mul3A_9 = arith.muli %mul3A_8, %scan3A_7 : i32
      %mul3A_10 = arith.constant 1600 : i32
      %mul3A_11 = arith.muli %mul3A_9, %mul3A_10 : i32
      %add3A_12 = arith.addi %mul3A_2, %mul3A_11 : i32
      %add3A_13 = arith.constant 1600 : i32
      %add3A_14 = arith.addi %add3A_12, %add3A_13 : i32
      "tpu.region"() ({
        %run_scoped3A = tpu.sem_alloc : memref<!tpu.dma_semaphore, #tpu.memory_space<semaphore_mem>>
        %dma_start3A_100 = tpu.memref_slice %arg3[%add3A_12] : memref<819200xi32, #tpu.memory_space<hbm>> -> memref<1600xi32, #tpu.memory_space<hbm>>
        %dma_start3A_101 = tpu.memref_slice %arg3[%add3A_12] : memref<819200xi32, #tpu.memory_space<hbm>> -> memref<1600xi32, #tpu.memory_space<hbm>>
        tpu.enqueue_dma source(%dma_start3A_101 : memref<1600xi32, #tpu.memory_space<hbm>>) target(%arg6 : memref<1600xi32, #tpu.memory_space<vmem>>) target_semaphore(%run_scoped3A : memref<!tpu.dma_semaphore, #tpu.memory_space<semaphore_mem>>)
        %dma_wait3A_102 = tpu.memref_slice %arg3[%add3A_12] : memref<819200xi32, #tpu.memory_space<hbm>> -> memref<1600xi32, #tpu.memory_space<hbm>>
        %dma_wait3A_103 = tpu.memref_slice %arg3[%add3A_12] : memref<819200xi32, #tpu.memory_space<hbm>> -> memref<1600xi32, #tpu.memory_space<hbm>>
        tpu.wait_dma2 semaphore(%run_scoped3A : memref<!tpu.dma_semaphore, #tpu.memory_space<semaphore_mem>>) src(%dma_wait3A_103 : memref<1600xi32, #tpu.memory_space<hbm>>) dst(%arg6 : memref<1600xi32, #tpu.memory_space<vmem>>)
        tpu.yield
      }) : () -> ()
      %dma_start3A = arith.constant 0 : i32
      %dma_start3A_15 = arith.constant 0 : i32
      %dma_start3A_16 = tpu.memref_slice %arg2[%dma_start3A, %dma_start3A_15] : memref<1000000x32xf32, #tpu.memory_space<hbm>> -> memref<1000000x32xf32, #tpu.memory_space<hbm>>
      tpu.enqueue_indirect_dma source(%dma_start3A_16 : memref<1000000x32xf32, #tpu.memory_space<hbm>>) target(%arg8 : memref<1600x32xf32, #tpu.memory_space<vmem>>) offsets(%arg6 : memref<1600xi32, #tpu.memory_space<vmem>>) semaphore(%arg10 : memref<!tpu.dma_semaphore, #tpu.memory_space<semaphore_mem>>)
      "tpu.region"() ({
        %run_scoped3A = tpu.sem_alloc : memref<!tpu.dma_semaphore, #tpu.memory_space<semaphore_mem>>
        %dma_start3A_100 = tpu.memref_slice %arg3[%add3A_14] : memref<819200xi32, #tpu.memory_space<hbm>> -> memref<1600xi32, #tpu.memory_space<hbm>>
        %dma_start3A_101 = tpu.memref_slice %arg3[%add3A_14] : memref<819200xi32, #tpu.memory_space<hbm>> -> memref<1600xi32, #tpu.memory_space<hbm>>
        tpu.enqueue_dma source(%dma_start3A_101 : memref<1600xi32, #tpu.memory_space<hbm>>) target(%arg7 : memref<1600xi32, #tpu.memory_space<vmem>>) target_semaphore(%run_scoped3A : memref<!tpu.dma_semaphore, #tpu.memory_space<semaphore_mem>>)
        %dma_wait3A_102 = tpu.memref_slice %arg3[%add3A_14] : memref<819200xi32, #tpu.memory_space<hbm>> -> memref<1600xi32, #tpu.memory_space<hbm>>
        %dma_wait3A_103 = tpu.memref_slice %arg3[%add3A_14] : memref<819200xi32, #tpu.memory_space<hbm>> -> memref<1600xi32, #tpu.memory_space<hbm>>
        tpu.wait_dma2 semaphore(%run_scoped3A : memref<!tpu.dma_semaphore, #tpu.memory_space<semaphore_mem>>) src(%dma_wait3A_103 : memref<1600xi32, #tpu.memory_space<hbm>>) dst(%arg7 : memref<1600xi32, #tpu.memory_space<vmem>>)
        tpu.yield
      }) : () -> ()
      %dma_start3A_17 = arith.constant 0 : i32
      %dma_start3A_18 = arith.constant 0 : i32
      %dma_start3A_19 = tpu.memref_slice %arg2[%dma_start3A_17, %dma_start3A_18] : memref<1000000x32xf32, #tpu.memory_space<hbm>> -> memref<1000000x32xf32, #tpu.memory_space<hbm>>
      tpu.enqueue_indirect_dma source(%dma_start3A_19 : memref<1000000x32xf32, #tpu.memory_space<hbm>>) target(%arg9 : memref<1600x32xf32, #tpu.memory_space<vmem>>) offsets(%arg7 : memref<1600xi32, #tpu.memory_space<vmem>>) semaphore(%arg11 : memref<!tpu.dma_semaphore, #tpu.memory_space<semaphore_mem>>)
      %dma_wait3A = arith.constant 0 : i32
      %dma_wait3A_20 = arith.constant 0 : i32
      %dma_wait3A_21 = tpu.memref_slice %arg2[%dma_wait3A, %dma_wait3A_20] : memref<1000000x32xf32, #tpu.memory_space<hbm>> -> memref<1000000x32xf32, #tpu.memory_space<hbm>>
      tpu.wait_indirect_dma semaphore(%arg10 : memref<!tpu.dma_semaphore, #tpu.memory_space<semaphore_mem>>) src(%dma_wait3A_21 : memref<1000000x32xf32, #tpu.memory_space<hbm>>) dst(%arg8 : memref<1600x32xf32, #tpu.memory_space<vmem>>)
      %dma_start3A_22 = arith.constant 0 : i32
      %dma_start3A_23 = arith.constant 0 : i32
      %dma_start3A_24 = tpu.memref_slice %arg5[%dma_start3A_22, %add3A_12, %dma_start3A_23] : memref<2x819200x32xf32, #tpu.memory_space<hbm>> -> memref<1x1600x32xf32, #tpu.memory_space<hbm>>
      %dma_start3A_25 = tpu.memref_squeeze %dma_start3A_24 : memref<1x1600x32xf32, #tpu.memory_space<hbm>> -> memref<1600x32xf32, #tpu.memory_space<hbm>>
      %dma_start3A_26 = arith.constant 0 : i32
      %dma_start3A_27 = tpu.memref_slice %arg5[%dma_start3A_22, %add3A_12, %dma_start3A_26] : memref<2x819200x32xf32, #tpu.memory_space<hbm>> -> memref<1x1600x32xf32, #tpu.memory_space<hbm>>
      %dma_start3A_28 = tpu.memref_squeeze %dma_start3A_27 : memref<1x1600x32xf32, #tpu.memory_space<hbm>> -> memref<1600x32xf32, #tpu.memory_space<hbm>>
      tpu.enqueue_dma source(%arg8 : memref<1600x32xf32, #tpu.memory_space<vmem>>) target(%dma_start3A_28 : memref<1600x32xf32, #tpu.memory_space<hbm>>) target_semaphore(%arg12 : memref<!tpu.dma_semaphore, #tpu.memory_space<semaphore_mem>>)
      %dma_wait3A_29 = arith.constant 0 : i32
      %dma_wait3A_30 = arith.constant 0 : i32
      %dma_wait3A_31 = tpu.memref_slice %arg2[%dma_wait3A_29, %dma_wait3A_30] : memref<1000000x32xf32, #tpu.memory_space<hbm>> -> memref<1000000x32xf32, #tpu.memory_space<hbm>>
      tpu.wait_indirect_dma semaphore(%arg11 : memref<!tpu.dma_semaphore, #tpu.memory_space<semaphore_mem>>) src(%dma_wait3A_31 : memref<1000000x32xf32, #tpu.memory_space<hbm>>) dst(%arg9 : memref<1600x32xf32, #tpu.memory_space<vmem>>)
      %dma_start3A_32 = arith.constant 0 : i32
      %dma_start3A_33 = arith.constant 0 : i32
      %dma_start3A_34 = tpu.memref_slice %arg5[%dma_start3A_32, %add3A_14, %dma_start3A_33] : memref<2x819200x32xf32, #tpu.memory_space<hbm>> -> memref<1x1600x32xf32, #tpu.memory_space<hbm>>
      %dma_start3A_35 = tpu.memref_squeeze %dma_start3A_34 : memref<1x1600x32xf32, #tpu.memory_space<hbm>> -> memref<1600x32xf32, #tpu.memory_space<hbm>>
      %dma_start3A_36 = arith.constant 0 : i32
      %dma_start3A_37 = tpu.memref_slice %arg5[%dma_start3A_32, %add3A_14, %dma_start3A_36] : memref<2x819200x32xf32, #tpu.memory_space<hbm>> -> memref<1x1600x32xf32, #tpu.memory_space<hbm>>
      %dma_start3A_38 = tpu.memref_squeeze %dma_start3A_37 : memref<1x1600x32xf32, #tpu.memory_space<hbm>> -> memref<1600x32xf32, #tpu.memory_space<hbm>>
      tpu.enqueue_dma source(%arg9 : memref<1600x32xf32, #tpu.memory_space<vmem>>) target(%dma_start3A_38 : memref<1600x32xf32, #tpu.memory_space<hbm>>) target_semaphore(%arg13 : memref<!tpu.dma_semaphore, #tpu.memory_space<semaphore_mem>>)
      %dma_wait3A_39 = arith.constant 0 : i32
      %dma_wait3A_40 = arith.constant 0 : i32
      %dma_wait3A_41 = tpu.memref_slice %arg5[%dma_wait3A_39, %add3A_12, %dma_wait3A_40] : memref<2x819200x32xf32, #tpu.memory_space<hbm>> -> memref<1x1600x32xf32, #tpu.memory_space<hbm>>
      %dma_wait3A_42 = tpu.memref_squeeze %dma_wait3A_41 : memref<1x1600x32xf32, #tpu.memory_space<hbm>> -> memref<1600x32xf32, #tpu.memory_space<hbm>>
      %dma_wait3A_43 = arith.constant 0 : i32
      %dma_wait3A_44 = tpu.memref_slice %arg5[%dma_wait3A_39, %add3A_12, %dma_wait3A_43] : memref<2x819200x32xf32, #tpu.memory_space<hbm>> -> memref<1x1600x32xf32, #tpu.memory_space<hbm>>
      %dma_wait3A_45 = tpu.memref_squeeze %dma_wait3A_44 : memref<1x1600x32xf32, #tpu.memory_space<hbm>> -> memref<1600x32xf32, #tpu.memory_space<hbm>>
      tpu.wait_dma2 semaphore(%arg12 : memref<!tpu.dma_semaphore, #tpu.memory_space<semaphore_mem>>) src(%arg8 : memref<1600x32xf32, #tpu.memory_space<vmem>>) dst(%dma_wait3A_45 : memref<1600x32xf32, #tpu.memory_space<hbm>>)
      %dma_wait3A_46 = arith.constant 0 : i32
      %dma_wait3A_47 = arith.constant 0 : i32
      %dma_wait3A_48 = tpu.memref_slice %arg5[%dma_wait3A_46, %add3A_14, %dma_wait3A_47] : memref<2x819200x32xf32, #tpu.memory_space<hbm>> -> memref<1x1600x32xf32, #tpu.memory_space<hbm>>
      %dma_wait3A_49 = tpu.memref_squeeze %dma_wait3A_48 : memref<1x1600x32xf32, #tpu.memory_space<hbm>> -> memref<1600x32xf32, #tpu.memory_space<hbm>>
      %dma_wait3A_50 = arith.constant 0 : i32
      %dma_wait3A_51 = tpu.memref_slice %arg5[%dma_wait3A_46, %add3A_14, %dma_wait3A_50] : memref<2x819200x32xf32, #tpu.memory_space<hbm>> -> memref<1x1600x32xf32, #tpu.memory_space<hbm>>
      %dma_wait3A_52 = tpu.memref_squeeze %dma_wait3A_51 : memref<1x1600x32xf32, #tpu.memory_space<hbm>> -> memref<1600x32xf32, #tpu.memory_space<hbm>>
      tpu.wait_dma2 semaphore(%arg13 : memref<!tpu.dma_semaphore, #tpu.memory_space<semaphore_mem>>) src(%arg9 : memref<1600x32xf32, #tpu.memory_space<vmem>>) dst(%dma_wait3A_52 : memref<1600x32xf32, #tpu.memory_space<hbm>>)
      %mul3A_53 = arith.constant 2 : i32
      %mul3A_54 = arith.muli %mul3A_53, %scan3A_7 : i32
      %mul3A_55 = arith.constant 1600 : i32
      %mul3A_56 = arith.muli %mul3A_54, %mul3A_55 : i32
      %add3A_57 = arith.addi %mul3A_2, %mul3A_56 : i32
      %add3A_58 = arith.constant 1600 : i32
      %add3A_59 = arith.addi %add3A_57, %add3A_58 : i32
      "tpu.region"() ({
        %run_scoped3A = tpu.sem_alloc : memref<!tpu.dma_semaphore, #tpu.memory_space<semaphore_mem>>
        %dma_start3A_100 = tpu.memref_slice %arg4[%add3A_57] : memref<819200xi32, #tpu.memory_space<hbm>> -> memref<1600xi32, #tpu.memory_space<hbm>>
        %dma_start3A_101 = tpu.memref_slice %arg4[%add3A_57] : memref<819200xi32, #tpu.memory_space<hbm>> -> memref<1600xi32, #tpu.memory_space<hbm>>
        tpu.enqueue_dma source(%dma_start3A_101 : memref<1600xi32, #tpu.memory_space<hbm>>) target(%arg6 : memref<1600xi32, #tpu.memory_space<vmem>>) target_semaphore(%run_scoped3A : memref<!tpu.dma_semaphore, #tpu.memory_space<semaphore_mem>>)
        %dma_wait3A_102 = tpu.memref_slice %arg4[%add3A_57] : memref<819200xi32, #tpu.memory_space<hbm>> -> memref<1600xi32, #tpu.memory_space<hbm>>
        %dma_wait3A_103 = tpu.memref_slice %arg4[%add3A_57] : memref<819200xi32, #tpu.memory_space<hbm>> -> memref<1600xi32, #tpu.memory_space<hbm>>
        tpu.wait_dma2 semaphore(%run_scoped3A : memref<!tpu.dma_semaphore, #tpu.memory_space<semaphore_mem>>) src(%dma_wait3A_103 : memref<1600xi32, #tpu.memory_space<hbm>>) dst(%arg6 : memref<1600xi32, #tpu.memory_space<vmem>>)
        tpu.yield
      }) : () -> ()
      %dma_start3A_60 = arith.constant 0 : i32
      %dma_start3A_61 = arith.constant 0 : i32
      %dma_start3A_62 = tpu.memref_slice %arg2[%dma_start3A_60, %dma_start3A_61] : memref<1000000x32xf32, #tpu.memory_space<hbm>> -> memref<1000000x32xf32, #tpu.memory_space<hbm>>
      tpu.enqueue_indirect_dma source(%dma_start3A_62 : memref<1000000x32xf32, #tpu.memory_space<hbm>>) target(%arg8 : memref<1600x32xf32, #tpu.memory_space<vmem>>) offsets(%arg6 : memref<1600xi32, #tpu.memory_space<vmem>>) semaphore(%arg10 : memref<!tpu.dma_semaphore, #tpu.memory_space<semaphore_mem>>)
      "tpu.region"() ({
        %run_scoped3A = tpu.sem_alloc : memref<!tpu.dma_semaphore, #tpu.memory_space<semaphore_mem>>
        %dma_start3A_100 = tpu.memref_slice %arg4[%add3A_59] : memref<819200xi32, #tpu.memory_space<hbm>> -> memref<1600xi32, #tpu.memory_space<hbm>>
        %dma_start3A_101 = tpu.memref_slice %arg4[%add3A_59] : memref<819200xi32, #tpu.memory_space<hbm>> -> memref<1600xi32, #tpu.memory_space<hbm>>
        tpu.enqueue_dma source(%dma_start3A_101 : memref<1600xi32, #tpu.memory_space<hbm>>) target(%arg7 : memref<1600xi32, #tpu.memory_space<vmem>>) target_semaphore(%run_scoped3A : memref<!tpu.dma_semaphore, #tpu.memory_space<semaphore_mem>>)
        %dma_wait3A_102 = tpu.memref_slice %arg4[%add3A_59] : memref<819200xi32, #tpu.memory_space<hbm>> -> memref<1600xi32, #tpu.memory_space<hbm>>
        %dma_wait3A_103 = tpu.memref_slice %arg4[%add3A_59] : memref<819200xi32, #tpu.memory_space<hbm>> -> memref<1600xi32, #tpu.memory_space<hbm>>
        tpu.wait_dma2 semaphore(%run_scoped3A : memref<!tpu.dma_semaphore, #tpu.memory_space<semaphore_mem>>) src(%dma_wait3A_103 : memref<1600xi32, #tpu.memory_space<hbm>>) dst(%arg7 : memref<1600xi32, #tpu.memory_space<vmem>>)
        tpu.yield
      }) : () -> ()
      %dma_start3A_63 = arith.constant 0 : i32
      %dma_start3A_64 = arith.constant 0 : i32
      %dma_start3A_65 = tpu.memref_slice %arg2[%dma_start3A_63, %dma_start3A_64] : memref<1000000x32xf32, #tpu.memory_space<hbm>> -> memref<1000000x32xf32, #tpu.memory_space<hbm>>
      tpu.enqueue_indirect_dma source(%dma_start3A_65 : memref<1000000x32xf32, #tpu.memory_space<hbm>>) target(%arg9 : memref<1600x32xf32, #tpu.memory_space<vmem>>) offsets(%arg7 : memref<1600xi32, #tpu.memory_space<vmem>>) semaphore(%arg11 : memref<!tpu.dma_semaphore, #tpu.memory_space<semaphore_mem>>)
      %dma_wait3A_66 = arith.constant 0 : i32
      %dma_wait3A_67 = arith.constant 0 : i32
      %dma_wait3A_68 = tpu.memref_slice %arg2[%dma_wait3A_66, %dma_wait3A_67] : memref<1000000x32xf32, #tpu.memory_space<hbm>> -> memref<1000000x32xf32, #tpu.memory_space<hbm>>
      tpu.wait_indirect_dma semaphore(%arg10 : memref<!tpu.dma_semaphore, #tpu.memory_space<semaphore_mem>>) src(%dma_wait3A_68 : memref<1000000x32xf32, #tpu.memory_space<hbm>>) dst(%arg8 : memref<1600x32xf32, #tpu.memory_space<vmem>>)
      %dma_start3A_69 = arith.constant 1 : i32
      %dma_start3A_70 = arith.constant 0 : i32
      %dma_start3A_71 = tpu.memref_slice %arg5[%dma_start3A_69, %add3A_57, %dma_start3A_70] : memref<2x819200x32xf32, #tpu.memory_space<hbm>> -> memref<1x1600x32xf32, #tpu.memory_space<hbm>>
      %dma_start3A_72 = tpu.memref_squeeze %dma_start3A_71 : memref<1x1600x32xf32, #tpu.memory_space<hbm>> -> memref<1600x32xf32, #tpu.memory_space<hbm>>
      %dma_start3A_73 = arith.constant 0 : i32
      %dma_start3A_74 = tpu.memref_slice %arg5[%dma_start3A_69, %add3A_57, %dma_start3A_73] : memref<2x819200x32xf32, #tpu.memory_space<hbm>> -> memref<1x1600x32xf32, #tpu.memory_space<hbm>>
      %dma_start3A_75 = tpu.memref_squeeze %dma_start3A_74 : memref<1x1600x32xf32, #tpu.memory_space<hbm>> -> memref<1600x32xf32, #tpu.memory_space<hbm>>
      tpu.enqueue_dma source(%arg8 : memref<1600x32xf32, #tpu.memory_space<vmem>>) target(%dma_start3A_75 : memref<1600x32xf32, #tpu.memory_space<hbm>>) target_semaphore(%arg12 : memref<!tpu.dma_semaphore, #tpu.memory_space<semaphore_mem>>)
      %dma_wait3A_76 = arith.constant 0 : i32
      %dma_wait3A_77 = arith.constant 0 : i32
      %dma_wait3A_78 = tpu.memref_slice %arg2[%dma_wait3A_76, %dma_wait3A_77] : memref<1000000x32xf32, #tpu.memory_space<hbm>> -> memref<1000000x32xf32, #tpu.memory_space<hbm>>
      tpu.wait_indirect_dma semaphore(%arg11 : memref<!tpu.dma_semaphore, #tpu.memory_space<semaphore_mem>>) src(%dma_wait3A_78 : memref<1000000x32xf32, #tpu.memory_space<hbm>>) dst(%arg9 : memref<1600x32xf32, #tpu.memory_space<vmem>>)
      %dma_start3A_79 = arith.constant 1 : i32
      %dma_start3A_80 = arith.constant 0 : i32
      %dma_start3A_81 = tpu.memref_slice %arg5[%dma_start3A_79, %add3A_59, %dma_start3A_80] : memref<2x819200x32xf32, #tpu.memory_space<hbm>> -> memref<1x1600x32xf32, #tpu.memory_space<hbm>>
      %dma_start3A_82 = tpu.memref_squeeze %dma_start3A_81 : memref<1x1600x32xf32, #tpu.memory_space<hbm>> -> memref<1600x32xf32, #tpu.memory_space<hbm>>
      %dma_start3A_83 = arith.constant 0 : i32
      %dma_start3A_84 = tpu.memref_slice %arg5[%dma_start3A_79, %add3A_59, %dma_start3A_83] : memref<2x819200x32xf32, #tpu.memory_space<hbm>> -> memref<1x1600x32xf32, #tpu.memory_space<hbm>>
      %dma_start3A_85 = tpu.memref_squeeze %dma_start3A_84 : memref<1x1600x32xf32, #tpu.memory_space<hbm>> -> memref<1600x32xf32, #tpu.memory_space<hbm>>
      tpu.enqueue_dma source(%arg9 : memref<1600x32xf32, #tpu.memory_space<vmem>>) target(%dma_start3A_85 : memref<1600x32xf32, #tpu.memory_space<hbm>>) target_semaphore(%arg13 : memref<!tpu.dma_semaphore, #tpu.memory_space<semaphore_mem>>)
      %dma_wait3A_86 = arith.constant 1 : i32
      %dma_wait3A_87 = arith.constant 0 : i32
      %dma_wait3A_88 = tpu.memref_slice %arg5[%dma_wait3A_86, %add3A_57, %dma_wait3A_87] : memref<2x819200x32xf32, #tpu.memory_space<hbm>> -> memref<1x1600x32xf32, #tpu.memory_space<hbm>>
      %dma_wait3A_89 = tpu.memref_squeeze %dma_wait3A_88 : memref<1x1600x32xf32, #tpu.memory_space<hbm>> -> memref<1600x32xf32, #tpu.memory_space<hbm>>
      %dma_wait3A_90 = arith.constant 0 : i32
      %dma_wait3A_91 = tpu.memref_slice %arg5[%dma_wait3A_86, %add3A_57, %dma_wait3A_90] : memref<2x819200x32xf32, #tpu.memory_space<hbm>> -> memref<1x1600x32xf32, #tpu.memory_space<hbm>>
      %dma_wait3A_92 = tpu.memref_squeeze %dma_wait3A_91 : memref<1x1600x32xf32, #tpu.memory_space<hbm>> -> memref<1600x32xf32, #tpu.memory_space<hbm>>
      tpu.wait_dma2 semaphore(%arg12 : memref<!tpu.dma_semaphore, #tpu.memory_space<semaphore_mem>>) src(%arg8 : memref<1600x32xf32, #tpu.memory_space<vmem>>) dst(%dma_wait3A_92 : memref<1600x32xf32, #tpu.memory_space<hbm>>)
      %dma_wait3A_93 = arith.constant 1 : i32
      %dma_wait3A_94 = arith.constant 0 : i32
      %dma_wait3A_95 = tpu.memref_slice %arg5[%dma_wait3A_93, %add3A_59, %dma_wait3A_94] : memref<2x819200x32xf32, #tpu.memory_space<hbm>> -> memref<1x1600x32xf32, #tpu.memory_space<hbm>>
      %dma_wait3A_96 = tpu.memref_squeeze %dma_wait3A_95 : memref<1x1600x32xf32, #tpu.memory_space<hbm>> -> memref<1600x32xf32, #tpu.memory_space<hbm>>
      %dma_wait3A_97 = arith.constant 0 : i32
      %dma_wait3A_98 = tpu.memref_slice %arg5[%dma_wait3A_93, %add3A_59, %dma_wait3A_97] : memref<2x819200x32xf32, #tpu.memory_space<hbm>> -> memref<1x1600x32xf32, #tpu.memory_space<hbm>>
      %dma_wait3A_99 = tpu.memref_squeeze %dma_wait3A_98 : memref<1x1600x32xf32, #tpu.memory_space<hbm>> -> memref<1600x32xf32, #tpu.memory_space<hbm>>
      tpu.wait_dma2 semaphore(%arg13 : memref<!tpu.dma_semaphore, #tpu.memory_space<semaphore_mem>>) src(%arg9 : memref<1600x32xf32, #tpu.memory_space<vmem>>) dst(%dma_wait3A_99 : memref<1600x32xf32, #tpu.memory_space<hbm>>)
    }
    %scan3A_6 = arith.constant 8 : i32
    return
  }
}

</mosaic_0001>

<sc_bundles>
// kernel: kernel.3.cloned.1.call-start
scs
__scs_entry_jumppad:
0x0: {  	(pc) =	sbr.rel $0x88, $3  }
0x1: {  	(tag) =	ssettag $0x0;
	lr =	simm.s32 $0x1  }
0x2: {  	[smem:$0x3F9E] =	sst lr;
	_ =	strace $0xD0000000  }
0x3: {  	_ = 	snop  }
0x4: {  	_ = 	snop  }
0x5: {  	_ = 	snop  }
0x6: {  	_ = 	snop  }
0x7: {  	_ = 	snop  }
__scs_overlays_trampoline_lowered:
0x8: {  	[smem:$0x3FAD] =	sst s0  }
0x9: {  	[smem:$0x3FAE] =	sst s1  }
0xa: {  	[smem:$0x3FAF] =	sst s2  }
0xb: {  	[smem:$0x3FB0] =	sst s3  }
0xc: {  	[smem:$0x3FB1] =	sst s4  }
0xd: {  	[smem:$0x3FB2] =	sst s5  }
0xe: {  	[smem:$0x3FB3] =	sst s6  }
0xf: {  	[smem:$0x3FB4] =	sst s7  }
0x10: {  	[smem:$0x3FB5] =	sst s8  }
0x11: {  	[smem:$0x3FB6] =	sst s9;
	s0 =	simm.s32 @!p0 $0x0  }
0x12: {  	s1 =	sld [smem:$0x3F9C];
	s0 =	simm.s32 @p0 $0x1  }
0x13: {  	[smem:$0x3FB7] =	sst s0;
	s0 =	simm.s32 @!p1 $0x0  }
0x14: {  	s2 =	sld [smem:$0x3F9B];
	s0 =	simm.s32 @p1 $0x1  }
0x15: {  	[smem:$0x3FB8] =	sst s0;
	s0 =	simm.s32 @!p2 $0x0  }
0x16: {  	s3 =	sld [smem:$0x3FDB];
	s0 =	simm.s32 @p2 $0x1  }
0x17: {  	s4 =	simm.s32 $0x1BF5;
	[smem:$0x3FBA] =	sst s0  }
0x18: {  	s0 =	sld [smem:$0x3F9D];
	_ =	swait.ge [sflag:s4], $0x0  }
0x19: {  	s7 =	sld [smem:$0x3F9E]  }
0x1a: {  	s8 =	sadd.s32 $0xFFFFE003, lr  }
0x1b: {  	s9 =	sadd.s32 $0xFFFFFEF7, lr;
	s5 =	simm.s32 $0xFFFFFFFF;
	p2 =	slt.u32 s8, $0xFFFFF086  }
0x1c: {  	p1 =	slt.u32 s9, $0xF7A;
	s5 =	simm.s32 @!p2 $0x0  }
0x1d: {  	s5 =	simm.s32 @p1 $0x1;
	p0 =	seq.s32 s7, s2  }
0x1e: {  	s7 =	smul.u32 @!p0 $0xF7A, s2;
	p2 =	seq.s32 @!p0 s5, $0x0  }
0x1f: {  	s9 =	smul.u32 $0xF7A, s1;
	s8 =	simm.s32 @!p0 $0x1BF5;
	p2 =	por !p2, p0  }
0x20: {  	[sflag:s8] =	ssyncset.s32 @!p0 $0xFFFFF086;
	s6 =	sadd.s32 @!p0 s3, s7;
	s7 =	simm.s32 @!p0 $0x108  }
0x21: {  	s3 =	sadd.s32 s3, s9;
	s6 =	sadd.s32 @!p0 $0x88, s6;
	s7 =	simm.s32 @p2 $0x1082  }
0x22: {  	[simem:s7], [sflag:s8] =	dma.local @!p0 [hbm:s6], $0xF7A  }
0x23: {  	s9 =	sor.u32 $0xD0000000, s2;
	s6 =	simm.s32 $0x108;
	_ =	swait.ge @!p0 [sflag:s8], $0x0  }
0x24: {  	s3 =	sadd.s32 $0x88, s3;
	s6 =	simm.s32 @!p1 $0x1082;
	[sflag:s4] =	ssyncset.s32 $0xFFFFF086  }
0x25: {  	[simem:s6], [sflag:s4] =	dma.local [hbm:s3], $0xF7A  }
0x26: {  	[smem:$0x3F9E] =	sst s1;
	(tag) =	ssettag s2;
	_ =	strace s9  }
0x27: {  	s1 =	sld [smem:$0x3FAE]  }
0x28: {  	s2 =	sld [smem:$0x3FAF]  }
0x29: {  	s4 =	sld [smem:$0x3FB1]  }
0x2a: {  	p0 =	seq.s32 s5, $0x0;
	s5 =	sld [smem:$0x3FB2]  }
0x2b: {  	s6 =	sld [smem:$0x3FB3]  }
0x2c: {  	s7 =	sld [smem:$0x3FB4]  }
0x2d: {  	s3 =	simm.s32 $0x108;
	s8 =	sld [smem:$0x3FB5]  }
0x2e: {  	s3 =	simm.s32 @!p0 $0x1082;
	s9 =	sld [smem:$0x3FB6]  }
0x2f: {  	lr =	sadd.s32 s0, s3;
	s0 =	sld [smem:$0x3FAD]  }
0x30: {  	s3 =	sld [smem:$0x3FB0]  }
0x31: {  	[smem:$0x3FB9] =	sst s10  }
0x32: {  	s10 =	sld [smem:$0x3FB7];
	_ =	sdelay $0x3  }
0x33: {  	p0 =	seq.s32 s10, $0x1;
	s10 =	sld [smem:$0x3FB9];
	_ =	sdelay $0x3  }
0x34: {  	[smem:$0x3FB9] =	sst s10  }
0x35: {  	s10 =	sld [smem:$0x3FB8];
	_ =	sdelay $0x3  }
0x36: {  	p1 =	seq.s32 s10, $0x1;
	s10 =	sld [smem:$0x3FB9];
	_ =	sdelay $0x3  }
0x37: {  	[smem:$0x3FB9] =	sst s10  }
0x38: {  	s10 =	sld [smem:$0x3FBA]  }
0x39: {  	_ = 	snop;
	(pc) =	sbr.ind lr, $3  }
0x3a: {  	_ = 	snop  }
0x3b: {  	_ = 	snop  }
0x3c: {  	p2 =	seq.s32 s10, $0x1;
	s10 =	sld [smem:$0x3FB9]  }
0x3d: {  	_ =	shalt  }
0x3e: {  	_ =	shalt  }
0x3f: {  	_ =	shalt  }
0x40: {  	_ =	shalt  }
0x41: {  	_ =	shalt  }
0x42: {  	_ =	shalt  }
0x43: {  	_ =	shalt  }
0x44: {  	_ =	shalt  }
0x45: {  	_ =	shalt  }
0x46: {  	_ =	shalt  }
0x47: {  	_ =	shalt  }
0x48: {  	_ =	shalt  }
0x49: {  	_ =	shalt  }
0x4a: {  	_ =	shalt  }
0x4b: {  	_ =	shalt  }
0x4c: {  	_ =	shalt  }
0x4d: {  	_ =	shalt  }
0x4e: {  	_ =	shalt  }
0x4f: {  	_ =	shalt  }
0x50: {  	_ =	shalt  }
0x51: {  	_ =	shalt  }
0x52: {  	_ =	shalt  }
0x53: {  	_ =	shalt  }
0x54: {  	_ =	shalt  }
0x55: {  	_ =	shalt  }
0x56: {  	_ =	shalt  }
0x57: {  	_ =	shalt  }
0x58: {  	_ =	shalt  }
0x59: {  	_ =	shalt  }
0x5a: {  	_ =	shalt  }
0x5b: {  	_ =	shalt  }
0x5c: {  	_ =	shalt  }
0x5d: {  	_ =	shalt  }
0x5e: {  	_ =	shalt  }
0x5f: {  	_ =	shalt  }
0x60: {  	_ =	shalt  }
0x61: {  	_ =	shalt  }
0x62: {  	_ =	shalt  }
0x63: {  	_ =	shalt  }
0x64: {  	_ =	shalt  }
0x65: {  	_ =	shalt  }
0x66: {  	_ =	shalt  }
0x67: {  	_ =	shalt  }
0x68: {  	_ =	shalt  }
0x69: {  	_ =	shalt  }
0x6a: {  	_ =	shalt  }
0x6b: {  	_ =	shalt  }
0x6c: {  	_ =	shalt  }
0x6d: {  	_ =	shalt  }
0x6e: {  	_ =	shalt  }
0x6f: {  	_ =	shalt  }
0x70: {  	_ =	shalt  }
0x71: {  	_ =	shalt  }
0x72: {  	_ =	shalt  }
0x73: {  	_ =	shalt  }
0x74: {  	_ =	shalt  }
0x75: {  	_ =	shalt  }
0x76: {  	_ =	shalt  }
0x77: {  	_ =	shalt  }
0x78: {  	_ =	shalt  }
0x79: {  	_ =	shalt  }
0x7a: {  	_ =	shalt  }
0x7b: {  	_ =	shalt  }
0x7c: {  	_ =	shalt  }
0x7d: {  	_ =	shalt  }
0x7e: {  	_ =	shalt  }
0x7f: {  	_ =	shalt  }
0x80: {  	_ =	shalt  }
0x81: {  	_ =	shalt  }
0x82: {  	_ =	shalt  }
0x83: {  	_ =	shalt  }
0x84: {  	_ =	shalt  }
0x85: {  	_ =	shalt  }
0x86: {  	_ =	shalt  }
0x87: {  	_ =	shalt  }
.Lfunc_end0:
.L_simem_size_0:
called_computation.1_lowered:
.L_overlay_start_0:
0x88: {  	s2 =	sld [smem:$0x3FD9]  }
0x89: {  	s3 =	sld [smem:$0x3FFE];
	_ =	sdelay $0x1  }
0x8a: {  	s1 =	srdreg.scid  }
0x8b: {  	s0 =	sand.u32 $0x1, s1  }
0x8c: {  	s17 =	sshll.u32 s0, $0xA;
	s2 =	sadd.s32 s3, s2  }
0x8d: {  	s2 =	sadd.s32 s2, s17  }
0x8e: {  	[smem:$0x3FC5] =	sst s2  }
0x8f: {  	_ = 	snop  }
0x90: {  	s2 =	sld [smem:$0x3FD0];
	(tm) =	ssettm $0x1  }
0x91: {  	s18 =	sld [smem:$0x3FFB];
	_ =	sdelay $0x3  }
0x92: {  	_ =	strace s18  }
0x93: {  	s3 =	sld [smem:$0x3FFC];
	_ =	sdelay $0x3  }
0x94: {  	_ =	strace s3  }
0x95: {  	s3 =	sld [smem:$0x3FFD];
	_ =	sdelay $0x3  }
0x96: {  	_ =	strace s3  }
0x97: {  	_ =	strace $0x8FFFFFFF  }
0x98: {  	s19 =	sld [smem:$0x3FDB];
	_ =	sdelay $0x1  }
0x99: {  	s4 =	simm.s32 $_scs_section_size  }
0x9a: {  	s5 =	simm.s32 $_size__tile_overlayer_lowered;
	s6 =	simm.s32 $_tile_overlayer_lowered  }
0x9b: {  	s22 =	simm.s32 $0x1BFF;
	s21 =	sshll.u32 s6, $0x1;
	s3 =	sadd.s32 s4, s19  }
0x9c: {  	s7 =	simm.s32 $0x0;
	s20 =	sshll.u32 s5, $0x1;
	s5 =	sadd.s32 s21, s3  }
0x9d: {  	[timem:s7], [sflag:s22] =	dma.local [hbm:s5], s20  }
0x9e: {  	_ =	swait.ge [sflag:s22], s20  }
0x9f: {  	s4 =	ssub.s32 $0x0, s20;
	[sflag:s22] =	ssyncset.done $0x0  }
0xa0: {  	[sflag:s22] =	ssyncadd.s32 s4;
	_ =	sdelay $0x1  }
0xa1: {  	s23 =	simm.s32 $0x1B8B  }
0xa2: {  	_ =	swait.ge [sflag:s23], $0x1  }
0xa3: {  	[sflag:s23] =	ssyncset.done $0x0  }
0xa4: {  	s25 =	simm.s32 $0x1B8E;
	s24 =	sld [smem:$0x3FFE];
	[sflag:s23] =	ssyncadd.s32 $0xFFFFFFFF  }
0xa5: {  	s26 =	simm.s32 $execute0_lowered;
	[smem:$0x3FD2] =	sst s25  }
0xa6: {  	s5 =	sshll.u32 s26, $0x1;
	_ =	strace $0x80000046;
	[dreg:$0x1] =	wrdreg $0xFFFFFFFF  }
0xa7: {  	s28 =	simm.s32 $_size_execute0_lowered;
	s3 =	sadd.s32 s3, s5;
	[dreg:$0x0] =	wrdreg $0x0  }
0xa8: {  	s5 =	sshll.u32 s28, $0x1;
	[dreg:$0x2] =	wrdreg s3  }
0xa9: {  	[dreg:$0x3] =	wrdreg s5  }
0xaa: {  	[dreg:$0x4] =	wrdreg $0xC0  }
0xab: {  	_ =	task [dreg:s7], $0x5FFFF  }
0xac: {  	[dreg:$0x1] =	wrdreg $0xFFFFFFFF  }
0xad: {  	[dreg:$0x0] =	wrdreg $0x60  }
0xae: {  	[dreg:$0x2] =	wrdreg s24  }
0xaf: {  	[dreg:$0x3] =	wrdreg s2  }
0xb0: {  	[dreg:$0x4] =	wrdreg $0x9  }
0xb1: {  	_ =	task.clear_ibuf [dreg:s7], $0x5FFFF;
	_ =	strace $0x90000046  }
0xb2: {  	s29 =	simm.s32 $0x9;
	_ =	strace $0x80000048  }
0xb3: {  	_ =	swait.ge [sflag:s29], $0x1  }
0xb4: {  	[sflag:s29] =	ssyncadd.s32 $0xFFFFFFFF  }
0xb5: {  	_ =	strace $0x90000048  }
0xb6: {  	_ =	sfence  }
0xb7: {  	s30 =	sld [smem:$0x0];
	_ =	sdelay $0x2  }
0xb8: {  	s31 =	sshll.u32 s1, $0xD;
	s1 =	sshrl.u32 s1, $0x2  }
0xb9: {  	s3 =	sand.u32 $0x4000, s31;
	s1 =	sadd.s32 s1, s30  }
0xba: {  	s0 =	sor.u32 s3, s0;
	s1 =	sshll.u32 s1, $0x11  }
0xbb: {  	s0 =	sor.u32 s1, s0  }
0xbc: {  	s0 =	sadd.s32 $0x8F2B, s0  }
0xbd: {  	[sflag:s0] =	ssyncadd.remote.s32 $0x1  }
0xbe: {  	_ =	sfence.sel $0xFFFF  }
0xbf: {  	[dreg:$0x0] =	wrdreg $0xFFFFFFFF;
	(pc) =	sbr.abs _section_cstart, $3  }
0xc0: {  	[dreg:$0x1] =	wrdreg $0xFFFFFFFF  }
0xc1: {  	_ =	task.clear_ibuf [dreg:s7], $0x2FFFF;
	_ =	strace $0x9FFFFFFF  }
0xc2: {  	(tm) =	ssettm $0x7FFFFFFF  }
0xc3: {  	_ =	shalt  }
tec
execute0_lowered:
.L_overlay_start_1:
0x0: {  	(tag) =	ssettag $0x1  }
0x1: {  	s5 =	rddreg [dreg:$0x0]  }
0x2: {  	s7 =	rddreg [dreg:$0x1]  }
0x3: {  	s0 =	rddreg [dreg:$0x2];
	s2 =	simm.s32 $0x0;
	s4 =	srdreg.scid  }
0x4: {  	s1 =	stileid.u32;
	s13 =	simm.s32 $0xD480;
	s14 =	simm.s32 $0x1  }
0x5: {  	s15 =	simm.s32 $0x2;
	s16 =	simm.s32 $0x3;
	s17 =	simm.s32 $0x4  }
0x6: {  	s18 =	simm.s32 $0x0;
	[smem:$0x7FF] =	sst s2;
	s8 =	smul.u32 $0xC800, s1  }
0x7: {  	s3 =	sadd.s32 $0xF74C00, s5;
	s6 =	sand.u32 $0x1, s4;
	s12 =	smul.u32 $0x32000, s1  }
0x8: {  	s4 =	sadd.s32 $0x800, s5;
	s5 =	sadd.s32 $0x19800, s5;
	s10 =	smul.u32 $0x6400, s6  }
0x9: {  	_ =	strace $0x80000047;
	s9 =	ssub.s32 $0x2, s6;
	s30 =	smul.u32 $0x19000, s6  }
0xa: {  	s11 =	sshrl.u32 s9, $0x1;
	s7 =	sadd.s32 s12, s7;
	s12 =	simm.s32 $0xC80  }
0xb: {  	s9 =	ssub.s32 s9, s11;
	s8 =	sadd.s32 s10, s8;
	s7 =	sadd.s32 s30, s7  }
0xc: {  	s10 =	simm.s32 $0x5;
	s11 =	simm.s32 $0x640;
	s31 =	sadd.s32 $0x640, s8  }
0xd: {  	s6 =	smax.u32 s9, $0x1;
	s8 =	sshrl.u32 s8, $0x3;
	s9 =	sshrl.u32 s31, $0x3  }
.LBB2_1:
0xe: {  	s19 =	sadd.s32 s4, s8  }
0xf: {  	[tilespmem:s2], [sflag:$0x5] =	stream.linear.gather [hbm4b:s19+s2], $0x640, $0x38;
	[tilespmem:$0x19C80] =	vst v63  }
0x10: {  	_ =	swait.ge [sflag:s10], $0x640  }
0x11: {  	[sflag:s10] =	ssyncset.done $0x0  }
0x12: {  	[sflag:s10] =	ssyncadd.s32 $0xFFFFF9C0  }
0x13: {  	[tilespmem:s12], [sflag:$0x1] =	stream.indirect.gather [hbm4b:s3+s11], $0x20, s2, s11, $0xb8;
	[tilespmem:$0x19C80] =	vst v63  }
0x14: {  	s26 =	sadd.s32 s4, s9  }
0x15: {  	[tilespmem:s11], [sflag:$0x5] =	stream.linear.gather [hbm4b:s26+s2], $0x640, $0x38;
	[tilespmem:$0x19C80] =	vst v63  }
0x16: {  	_ =	swait.ge [sflag:s10], $0x640  }
0x17: {  	[sflag:s10] =	ssyncset.done $0x0  }
0x18: {  	[sflag:s10] =	ssyncadd.s32 $0xFFFFF9C0  }
0x19: {  	[tilespmem:s13], [sflag:$0x2] =	stream.indirect.gather [hbm4b:s3+s11], $0x20, s11, s11, $0xb8;
	[tilespmem:$0x19C80] =	vst v63  }
0x1a: {  	_ =	swait.ge [sflag:s14], $0xC800  }
0x1b: {  	[sflag:s14] =	ssyncset.done $0x0  }
0x1c: {  	s28 =	sadd.s32 $0x0, s7;
	[sflag:s14] =	ssyncadd.s32 $0xFFFF3800  }
0x1d: {  	[hbm4b:s28+s2] =	stream.linear.scatter [tilespmem:s12], [sflag:$0x3], $0xC800, $0x38;
	[tilespmem:$0x19C80] =	vst v63  }
0x1e: {  	_ =	swait.ge [sflag:s15], $0xC800  }
0x1f: {  	[sflag:s15] =	ssyncset.done $0x0  }
0x20: {  	s20 =	sadd.s32 $0x1900, s28;
	[sflag:s15] =	ssyncadd.s32 $0xFFFF3800  }
0x21: {  	[hbm4b:s20+s2] =	stream.linear.scatter [tilespmem:s13], [sflag:$0x4], $0xC800, $0x38;
	[tilespmem:$0x19C80] =	vst v63  }
0x22: {  	_ =	swait.ge [sflag:s16], $0xC800  }
0x23: {  	[sflag:s16] =	ssyncset.done $0x0  }
0x24: {  	[sflag:s16] =	ssyncadd.s32 $0xFFFF3800  }
0x25: {  	_ =	swait.ge [sflag:s17], $0xC800  }
0x26: {  	[sflag:s17] =	ssyncset.done $0x0  }
0x27: {  	s29 =	sadd.s32 s5, s8;
	[sflag:s17] =	ssyncadd.s32 $0xFFFF3800  }
0x28: {  	[tilespmem:s2], [sflag:$0x5] =	stream.linear.gather [hbm4b:s29+s2], $0x640, $0x38;
	[tilespmem:$0x19C80] =	vst v63  }
0x29: {  	_ =	swait.ge [sflag:s10], $0x640  }
0x2a: {  	[sflag:s10] =	ssyncset.done $0x0  }
0x2b: {  	[sflag:s10] =	ssyncadd.s32 $0xFFFFF9C0  }
0x2c: {  	[tilespmem:s12], [sflag:$0x1] =	stream.indirect.gather [hbm4b:s3+s11], $0x20, s2, s11, $0xb8;
	[tilespmem:$0x19C80] =	vst v63  }
0x2d: {  	s30 =	sadd.s32 s5, s9  }
0x2e: {  	[tilespmem:s11], [sflag:$0x5] =	stream.linear.gather [hbm4b:s30+s2], $0x640, $0x38;
	[tilespmem:$0x19C80] =	vst v63  }
0x2f: {  	_ =	swait.ge [sflag:s10], $0x640  }
0x30: {  	[sflag:s10] =	ssyncset.done $0x0  }
0x31: {  	[sflag:s10] =	ssyncadd.s32 $0xFFFFF9C0  }
0x32: {  	[tilespmem:s13], [sflag:$0x2] =	stream.indirect.gather [hbm4b:s3+s11], $0x20, s11, s11, $0xb8;
	[tilespmem:$0x19C80] =	vst v63  }
0x33: {  	_ =	swait.ge [sflag:s14], $0xC800  }
0x34: {  	[sflag:s14] =	ssyncset.done $0x0  }
0x35: {  	s31 =	sadd.s32 $0x320000, s28;
	[sflag:s14] =	ssyncadd.s32 $0xFFFF3800  }
0x36: {  	[hbm4b:s31+s2] =	stream.linear.scatter [tilespmem:s12], [sflag:$0x3], $0xC800, $0x38;
	[tilespmem:$0x19C80] =	vst v63  }
0x37: {  	_ =	swait.ge [sflag:s15], $0xC800  }
0x38: {  	[sflag:s15] =	ssyncset.done $0x0  }
0x39: {  	s19 =	sadd.s32 $0x321900, s28;
	[sflag:s15] =	ssyncadd.s32 $0xFFFF3800  }
0x3a: {  	[hbm4b:s19+s2] =	stream.linear.scatter [tilespmem:s13], [sflag:$0x4], $0xC800, $0x38;
	[tilespmem:$0x19C80] =	vst v63  }
0x3b: {  	_ =	swait.ge [sflag:s16], $0xC800  }
0x3c: {  	[sflag:s16] =	ssyncset.done $0x0  }
0x3d: {  	[sflag:s16] =	ssyncadd.s32 $0xFFFF3800  }
0x3e: {  	s22 =	simm.s32 $0x6400;
	s21 =	sadd.s32 $0x190, s4;
	_ =	swait.ge [sflag:s17], $0xC800  }
0x3f: {  	s20 =	simm.s32 $0x3200;
	s19 =	smov.u32 s5;
	[sflag:s17] =	ssyncset.done $0x0  }
.LBB2_2:
0x40: {  	s23 =	sadd.s32 s21, s8  }
0x41: {  	[sflag:s17] =	ssyncadd.s32 $0xFFFF3800;
	s19 =	sadd.s32 $0x190, s19;
	s24 =	smov.u32 s22  }
0x42: {  	[tilespmem:s2], [sflag:$0x5] =	stream.linear.gather [hbm4b:s23+s2], $0x640, $0x38;
	[tilespmem:$0x19C80] =	vst v63  }
0x43: {  	p0 =	sne.s32 s22, $0x15E00;
	s22 =	sadd.s32 $0x3200, s22;
	_ =	swait.ge [sflag:s10], $0x640  }
0x44: {  	[sflag:s10] =	ssyncset.done $0x0  }
0x45: {  	[sflag:s10] =	ssyncadd.s32 $0xFFFFF9C0  }
0x46: {  	[tilespmem:s12], [sflag:$0x1] =	stream.indirect.gather [hbm4b:s3+s11], $0x20, s2, s11, $0xb8;
	[tilespmem:$0x19C80] =	vst v63  }
0x47: {  	s23 =	sadd.s32 s21, s9  }
0x48: {  	[tilespmem:s11], [sflag:$0x5] =	stream.linear.gather [hbm4b:s23+s2], $0x640, $0x38;
	[tilespmem:$0x19C80] =	vst v63  }
0x49: {  	_ =	swait.ge [sflag:s10], $0x640  }
0x4a: {  	[sflag:s10] =	ssyncset.done $0x0  }
0x4b: {  	[sflag:s10] =	ssyncadd.s32 $0xFFFFF9C0  }
0x4c: {  	[tilespmem:s13], [sflag:$0x2] =	stream.indirect.gather [hbm4b:s3+s11], $0x20, s11, s11, $0xb8;
	[tilespmem:$0x19C80] =	vst v63  }
0x4d: {  	_ =	swait.ge [sflag:s14], $0xC800  }
0x4e: {  	[sflag:s14] =	ssyncset.done $0x0  }
0x4f: {  	s23 =	sadd.s32 s20, s7;
	s20 =	smov.u32 s24;
	[sflag:s14] =	ssyncadd.s32 $0xFFFF3800  }
0x50: {  	[hbm4b:s23+s2] =	stream.linear.scatter [tilespmem:s12], [sflag:$0x3], $0xC800, $0x38;
	[tilespmem:$0x19C80] =	vst v63  }
0x51: {  	_ =	swait.ge [sflag:s15], $0xC800  }
0x52: {  	[sflag:s15] =	ssyncset.done $0x0  }
0x53: {  	s24 =	sadd.s32 $0x1900, s23;
	[sflag:s15] =	ssyncadd.s32 $0xFFFF3800  }
0x54: {  	[hbm4b:s24+s2] =	stream.linear.scatter [tilespmem:s13], [sflag:$0x4], $0xC800, $0x38;
	[tilespmem:$0x19C80] =	vst v63  }
0x55: {  	_ =	swait.ge [sflag:s16], $0xC800  }
0x56: {  	[sflag:s16] =	ssyncset.done $0x0  }
0x57: {  	[sflag:s16] =	ssyncadd.s32 $0xFFFF3800  }
0x58: {  	_ =	swait.ge [sflag:s17], $0xC800  }
0x59: {  	[sflag:s17] =	ssyncset.done $0x0  }
0x5a: {  	s24 =	sadd.s32 s19, s8;
	[sflag:s17] =	ssyncadd.s32 $0xFFFF3800  }
0x5b: {  	[tilespmem:s2], [sflag:$0x5] =	stream.linear.gather [hbm4b:s24+s2], $0x640, $0x38;
	[tilespmem:$0x19C80] =	vst v63  }
0x5c: {  	_ =	swait.ge [sflag:s10], $0x640  }
0x5d: {  	[sflag:s10] =	ssyncset.done $0x0  }
0x5e: {  	[sflag:s10] =	ssyncadd.s32 $0xFFFFF9C0  }
0x5f: {  	[tilespmem:s12], [sflag:$0x1] =	stream.indirect.gather [hbm4b:s3+s11], $0x20, s2, s11, $0xb8;
	[tilespmem:$0x19C80] =	vst v63  }
0x60: {  	s24 =	sadd.s32 s19, s9  }
0x61: {  	[tilespmem:s11], [sflag:$0x5] =	stream.linear.gather [hbm4b:s24+s2], $0x640, $0x38;
	[tilespmem:$0x19C80] =	vst v63  }
0x62: {  	_ =	swait.ge [sflag:s10], $0x640  }
0x63: {  	[sflag:s10] =	ssyncset.done $0x0  }
0x64: {  	[sflag:s10] =	ssyncadd.s32 $0xFFFFF9C0  }
0x65: {  	[tilespmem:s13], [sflag:$0x2] =	stream.indirect.gather [hbm4b:s3+s11], $0x20, s11, s11, $0xb8;
	[tilespmem:$0x19C80] =	vst v63  }
0x66: {  	_ =	swait.ge [sflag:s14], $0xC800  }
0x67: {  	[sflag:s14] =	ssyncset.done $0x0  }
0x68: {  	s24 =	sadd.s32 $0x320000, s23;
	[sflag:s14] =	ssyncadd.s32 $0xFFFF3800  }
0x69: {  	[hbm4b:s24+s2] =	stream.linear.scatter [tilespmem:s12], [sflag:$0x3], $0xC800, $0x38;
	[tilespmem:$0x19C80] =	vst v63  }
0x6a: {  	_ =	swait.ge [sflag:s15], $0xC800  }
0x6b: {  	[sflag:s15] =	ssyncset.done $0x0  }
0x6c: {  	s23 =	sadd.s32 $0x321900, s23;
	[sflag:s15] =	ssyncadd.s32 $0xFFFF3800  }
0x6d: {  	[hbm4b:s23+s2] =	stream.linear.scatter [tilespmem:s13], [sflag:$0x4], $0xC800, $0x38;
	[tilespmem:$0x19C80] =	vst v63  }
.Ltmp0:
0x6e: {  	_ =	swait.ge [sflag:s16], $0xC800;
	(pc) =	sbr.rel @p0 .LBB2_2-.Ltmp0, $4  }
0x6f: {  	[sflag:s16] =	ssyncset.done $0x0  }
0x70: {  	[sflag:s16] =	ssyncadd.s32 $0xFFFF3800  }
0x71: {  	_ =	swait.ge [sflag:s17], $0xC800  }
0x72: {  	s21 =	sadd.s32 $0x190, s21;
	[sflag:s17] =	ssyncset.done $0x0  }
0x73: {  	s22 =	sadd.s32 s21, s8;
	[sflag:s17] =	ssyncadd.s32 $0xFFFF3800  }
0x74: {  	[tilespmem:s2], [sflag:$0x5] =	stream.linear.gather [hbm4b:s22+s2], $0x640, $0x38;
	[tilespmem:$0x19C80] =	vst v63  }
0x75: {  	_ =	swait.ge [sflag:s10], $0x640  }
0x76: {  	[sflag:s10] =	ssyncset.done $0x0  }
0x77: {  	[sflag:s10] =	ssyncadd.s32 $0xFFFFF9C0  }
0x78: {  	[tilespmem:s12], [sflag:$0x1] =	stream.indirect.gather [hbm4b:s3+s11], $0x20, s2, s11, $0xb8;
	[tilespmem:$0x19C80] =	vst v63  }
0x79: {  	s26 =	sadd.s32 s21, s9  }
0x7a: {  	[tilespmem:s11], [sflag:$0x5] =	stream.linear.gather [hbm4b:s26+s2], $0x640, $0x38;
	[tilespmem:$0x19C80] =	vst v63  }
0x7b: {  	_ =	swait.ge [sflag:s10], $0x640  }
0x7c: {  	[sflag:s10] =	ssyncset.done $0x0  }
0x7d: {  	[sflag:s10] =	ssyncadd.s32 $0xFFFFF9C0  }
0x7e: {  	[tilespmem:s13], [sflag:$0x2] =	stream.indirect.gather [hbm4b:s3+s11], $0x20, s11, s11, $0xb8;
	[tilespmem:$0x19C80] =	vst v63  }
0x7f: {  	_ =	swait.ge [sflag:s14], $0xC800  }
0x80: {  	[sflag:s14] =	ssyncset.done $0x0  }
0x81: {  	s20 =	sadd.s32 s20, s7;
	[sflag:s14] =	ssyncadd.s32 $0xFFFF3800  }
0x82: {  	[hbm4b:s20+s2] =	stream.linear.scatter [tilespmem:s12], [sflag:$0x3], $0xC800, $0x38;
	[tilespmem:$0x19C80] =	vst v63  }
0x83: {  	_ =	swait.ge [sflag:s15], $0xC800  }
0x84: {  	[sflag:s15] =	ssyncset.done $0x0  }
0x85: {  	s28 =	sadd.s32 $0x1900, s20;
	[sflag:s15] =	ssyncadd.s32 $0xFFFF3800  }
0x86: {  	[hbm4b:s28+s2] =	stream.linear.scatter [tilespmem:s13], [sflag:$0x4], $0xC800, $0x38;
	[tilespmem:$0x19C80] =	vst v63  }
0x87: {  	_ =	swait.ge [sflag:s16], $0xC800  }
0x88: {  	[sflag:s16] =	ssyncset.done $0x0  }
0x89: {  	[sflag:s16] =	ssyncadd.s32 $0xFFFF3800  }
0x8a: {  	_ =	swait.ge [sflag:s17], $0xC800  }
0x8b: {  	s19 =	sadd.s32 $0x190, s19;
	[sflag:s17] =	ssyncset.done $0x0  }
0x8c: {  	s29 =	sadd.s32 s19, s8;
	[sflag:s17] =	ssyncadd.s32 $0xFFFF3800  }
0x8d: {  	[tilespmem:s2], [sflag:$0x5] =	stream.linear.gather [hbm4b:s29+s2], $0x640, $0x38;
	[tilespmem:$0x19C80] =	vst v63  }
0x8e: {  	_ =	swait.ge [sflag:s10], $0x640  }
0x8f: {  	[sflag:s10] =	ssyncset.done $0x0  }
0x90: {  	[sflag:s10] =	ssyncadd.s32 $0xFFFFF9C0  }
0x91: {  	[tilespmem:s12], [sflag:$0x1] =	stream.indirect.gather [hbm4b:s3+s11], $0x20, s2, s11, $0xb8;
	[tilespmem:$0x19C80] =	vst v63  }
0x92: {  	s19 =	sadd.s32 s19, s9  }
0x93: {  	[tilespmem:s11], [sflag:$0x5] =	stream.linear.gather [hbm4b:s19+s2], $0x640, $0x38;
	[tilespmem:$0x19C80] =	vst v63  }
0x94: {  	_ =	swait.ge [sflag:s10], $0x640  }
0x95: {  	[sflag:s10] =	ssyncset.done $0x0  }
0x96: {  	[sflag:s10] =	ssyncadd.s32 $0xFFFFF9C0  }
0x97: {  	[tilespmem:s13], [sflag:$0x2] =	stream.indirect.gather [hbm4b:s3+s11], $0x20, s11, s11, $0xb8;
	[tilespmem:$0x19C80] =	vst v63  }
0x98: {  	_ =	swait.ge [sflag:s14], $0xC800  }
0x99: {  	[sflag:s14] =	ssyncset.done $0x0  }
0x9a: {  	s30 =	sadd.s32 $0x320000, s20;
	[sflag:s14] =	ssyncadd.s32 $0xFFFF3800  }
0x9b: {  	[hbm4b:s30+s2] =	stream.linear.scatter [tilespmem:s12], [sflag:$0x3], $0xC800, $0x38;
	[tilespmem:$0x19C80] =	vst v63  }
0x9c: {  	_ =	swait.ge [sflag:s15], $0xC800  }
0x9d: {  	[sflag:s15] =	ssyncset.done $0x0  }
0x9e: {  	s18 =	sadd.s32 $0x1, s18;
	s31 =	sadd.s32 $0x321900, s20;
	[sflag:s15] =	ssyncadd.s32 $0xFFFF3800  }
0x9f: {  	[hbm4b:s31+s2] =	stream.linear.scatter [tilespmem:s13], [sflag:$0x4], $0xC800, $0x38;
	[tilespmem:$0x19C80] =	vst v63  }
0xa0: {  	p0 =	sne.s32 s18, s6;
	_ =	swait.ge [sflag:s16], $0xC800  }
.Ltmp1:
0xa1: {  	[sflag:s16] =	ssyncset.done $0x0;
	(pc) =	sbr.rel @p0 .LBB2_1-.Ltmp1, $4  }
0xa2: {  	[sflag:s16] =	ssyncadd.s32 $0xFFFF3800  }
0xa3: {  	_ =	swait.ge [sflag:s17], $0xC800  }
0xa4: {  	[sflag:s17] =	ssyncset.done $0x0  }
0xa5: {  	[sflag:s17] =	ssyncadd.s32 $0xFFFF3800  }
0xa6: {  	_ =	sfence.sel $0x180000  }
0xa7: {  	[bflag:$0x0] =	sbarrier.arrive $0xFFFF  }
0xa8: {  	p0 =	sne.s32 s1, $0x0;
	_ =	strace $0x90000047  }
0xa9: {  	s0 =	sadd.s32 @!p0 $0x100000, s0;
	[bflag:$0x2] =	sbarrier.arrive $0xFFFF  }
0xaa: {  	[sflag:s0] =	ssyncadd.tile.s32 @!p0 $0x1;
	_ =	shalt  }
.Lfunc_end2:
_tile_overlayer_lowered:
.L_overlay_start_2:
0xab: {  	(tag) =	ssettag $0x2  }
0xac: {  	s0 =	rddreg [dreg:$0x0];
	s2 =	stileid.u32  }
0xad: {  	s1 =	rddreg [dreg:$0x1];
	p0 =	sne.s32 s2, $0x0  }
0xae: {  	s3 =	rddreg [dreg:$0x2];
	[bflag:$0x3] =	sbarrier.arrive $0xFFFF;
	s2 =	simm.s32 @!p0 $0x1C05  }
0xaf: {  	[timem:s3], [sflag:s2] =	dma.local @!p0 [hbm:s0], s1  }
0xb0: {  	s0 =	simm.s32 @!p0 $0x5  }
0xb1: {  	_ =	swait.ge @!p0 [sflag:s0], s1  }
0xb2: {  	s1 =	ssub.s32 @!p0 $0x0, s1;
	[sflag:s0] =	ssyncset.done @!p0 $0x0  }
0xb3: {  	[sflag:s0] =	ssyncadd.s32 @!p0 s1  }
0xb4: {  	[bflag:$0x3] =	sbarrier.arrive $0xFFFF  }
0xb5: {  	_ =	shalt  }

// kernel: sparse-core-data-format-call.cloned.1.call-start
scs
called_computation_lowered:
.L_overlay_start_0:
0x0: {  	s2 =	sld [smem:$0x3FD9]  }
0x1: {  	s3 =	sld [smem:$0x3FFE];
	_ =	sdelay $0x1  }
0x2: {  	s1 =	srdreg.scid  }
0x3: {  	s0 =	sand.u32 $0x1, s1  }
0x4: {  	s18 =	sshll.u32 s0, $0xA;
	s2 =	sadd.s32 s3, s2  }
0x5: {  	s2 =	sadd.s32 s2, s18  }
0x6: {  	[smem:$0x3FC5] =	sst s2  }
0x7: {  	_ = 	snop  }
0x8: {  	s2 =	sld [smem:$0x3FD0];
	(tm) =	ssettm $0x1  }
0x9: {  	s19 =	sld [smem:$0x3FFB];
	_ =	sdelay $0x3  }
0xa: {  	_ =	strace s19  }
0xb: {  	s3 =	sld [smem:$0x3FFC];
	_ =	sdelay $0x3  }
0xc: {  	_ =	strace s3  }
0xd: {  	s3 =	sld [smem:$0x3FFD];
	_ =	sdelay $0x3  }
0xe: {  	_ =	strace s3  }
0xf: {  	_ =	strace $0x8FFFFFFF  }
0x10: {  	s20 =	sld [smem:$0x3FDB];
	_ =	sdelay $0x1  }
0x11: {  	s4 =	simm.s32 $_scs_section_size  }
0x12: {  	s5 =	simm.s32 $_size__tile_overlayer_lowered;
	s6 =	simm.s32 $_tile_overlayer_lowered  }
0x13: {  	s23 =	simm.s32 $0x1BFF;
	s22 =	sshll.u32 s6, $0x1;
	s3 =	sadd.s32 s4, s20  }
0x14: {  	s7 =	simm.s32 $0x0;
	s21 =	sshll.u32 s5, $0x1;
	s5 =	sadd.s32 s22, s3  }
0x15: {  	[timem:s7], [sflag:s23] =	dma.local [hbm:s5], s21  }
0x16: {  	_ =	swait.ge [sflag:s23], s21  }
0x17: {  	s4 =	ssub.s32 $0x0, s21;
	[sflag:s23] =	ssyncset.done $0x0  }
0x18: {  	[sflag:s23] =	ssyncadd.s32 s4;
	_ =	sdelay $0x1  }
0x19: {  	s24 =	simm.s32 $0x1B8B  }
0x1a: {  	_ =	swait.ge [sflag:s24], $0x1  }
0x1b: {  	[sflag:s24] =	ssyncset.done $0x0  }
0x1c: {  	s26 =	simm.s32 $0x1B8E;
	s25 =	sld [smem:$0x3FFE];
	[sflag:s24] =	ssyncadd.s32 $0xFFFFFFFF  }
0x1d: {  	s27 =	simm.s32 $execute0_lowered;
	[smem:$0x3FD2] =	sst s26  }
0x1e: {  	s5 =	sshll.u32 s27, $0x1;
	_ =	strace $0x80000049;
	[dreg:$0x1] =	wrdreg $0xFFFFFFFF  }
0x1f: {  	s28 =	simm.s32 $_size_execute0_lowered;
	s3 =	sadd.s32 s3, s5;
	[dreg:$0x0] =	wrdreg $0x0  }
0x20: {  	s5 =	sshll.u32 s28, $0x1;
	[dreg:$0x2] =	wrdreg s3  }
0x21: {  	[dreg:$0x3] =	wrdreg s5  }
0x22: {  	[dreg:$0x4] =	wrdreg $0xC0  }
0x23: {  	_ =	task [dreg:s7], $0x5FFFF  }
0x24: {  	[dreg:$0x1] =	wrdreg $0xFFFFFFFF  }
0x25: {  	[dreg:$0x0] =	wrdreg $0x60  }
0x26: {  	[dreg:$0x2] =	wrdreg s25  }
0x27: {  	[dreg:$0x3] =	wrdreg s2  }
0x28: {  	[dreg:$0x4] =	wrdreg $0x9  }
0x29: {  	_ =	task.clear_ibuf [dreg:s7], $0x5FFFF;
	_ =	strace $0x90000049  }
0x2a: {  	s29 =	simm.s32 $0x9;
	_ =	strace $0x8000004B  }
0x2b: {  	_ =	swait.ge [sflag:s29], $0x1  }
0x2c: {  	[sflag:s29] =	ssyncadd.s32 $0xFFFFFFFF  }
0x2d: {  	_ =	strace $0x9000004B  }
0x2e: {  	_ =	sfence  }
0x2f: {  	s30 =	sld [smem:$0x0];
	_ =	sdelay $0x2  }
0x30: {  	s31 =	sshll.u32 s1, $0xD;
	s1 =	sshrl.u32 s1, $0x2  }
0x31: {  	s3 =	sand.u32 $0x4000, s31;
	s1 =	sadd.s32 s1, s30  }
0x32: {  	s0 =	sor.u32 s3, s0;
	s1 =	sshll.u32 s1, $0x11  }
0x33: {  	s0 =	sor.u32 s1, s0  }
0x34: {  	s0 =	sadd.s32 $0x8F2B, s0  }
0x35: {  	[sflag:s0] =	ssyncadd.remote.s32 $0x1  }
0x36: {  	_ =	sfence.sel $0xFFFF  }
0x37: {  	[dreg:$0x0] =	wrdreg $0xFFFFFFFF;
	(pc) =	sbr.abs _section_cstart, $3  }
0x38: {  	[dreg:$0x1] =	wrdreg $0xFFFFFFFF  }
0x39: {  	_ =	task.clear_ibuf [dreg:s7], $0x2FFFF;
	_ =	strace $0x9FFFFFFF  }
0x3a: {  	(tm) =	ssettm $0x7FFFFFFF  }
0x3b: {  	_ =	shalt  }
tec
execute0_lowered:
.L_overlay_start_1:
0x0: {  	(tag) =	ssettag $0x1  }
0x1: {  	s0 =	stileid.u32;
	s1 =	srdreg.scid  }
0x2: {  	s2 =	sshll.u32 s0, $0x6;
	s1 =	sshll.u32 s1, $0xA  }
0x3: {  	s1 =	sor.u32 s2, s1  }
0x4: {  	s7 =	rddreg [dreg:$0x0];
	s1 =	sand.u32 $0x780, s1  }
0x5: {  	s8 =	simm.s32 $0x2;
	s2 =	sand.u32 $0x1, s0;
	s3 =	ssub.s32 $0x1000, s1  }
0x6: {  	s14 =	simm.s32 $0x0;
	s4 =	ssub.s32 $0x2, s2;
	s5 =	sand.u32 $0x780, s3  }
0x7: {  	s6 =	sshrl.u32 s4, $0x1;
	p0 =	sne.s32 s5, $0x0;
	s5 =	simm.s32 $0x1  }
0x8: {  	s4 =	sand.u32 $0x1, s4;
	s3 =	sshrl.u32 s3, $0xB;
	s5 =	simm.s32 @!p0 $0x0  }
0x9: {  	s9 =	simm.s32 $0x8000;
	s6 =	sadd.s32 s4, s6;
	s3 =	sadd.s32 s5, s3  }
0xa: {  	s15 =	simm.s32 $0x0;
	s16 =	simm.s32 $0x0;
	s6 =	smul.u32 s3, s6  }
.Ltmp0:
0xb: {  	s10 =	simm.s32 $0x0;
	s13 =	simm.s32 $0x0;
	(pc) =	sbr.rel .LBB1_1-.Ltmp0, $4  }
0xc: {  	s7 =	sadd.s32 $0x800, s7;
	s4 =	rddreg [dreg:$0x1];
	s5 =	simm.s32 $0x1  }
0xd: {  	s3 =	rddreg [dreg:$0x2];
	_ =	strace $0x8000004A;
	s6 =	smul.u32 $0xC8, s6  }
0xe: {  	s12 =	smov.u32 s2;
	s11 =	smov.u32 s1;
	[sflag:s5] =	ssyncpa.u1 $0x0  }
0xf: {  	p0 =	por $0x0, $0x0;
	[sflag:s8] =	ssyncpa.u1 $0x0;
	s8 =	sor.u32 $0x1, s6  }
.LBB1_4:
0x10: {  	s16 =	smul.u32 $0x320000, s16  }
0x11: {  	s19 =	sshll.u32 s15, $0x3;
	s20 =	sand.u32 $0x78, s15;
	s30 =	sand.u32 $0x3E00, s15  }
0x12: {  	s14 =	sshll.u32 s14, $0xE;
	s19 =	sand.u32 $0xC00, s19;
	s16 =	sadd.s32 s4, s16  }
0x13: {  	s31 =	sand.u32 $0x7, s15;
	s19 =	sor.u32 s20, s19;
	s16 =	sadd.s32 s30, s16  }
0x14: {  	s15 =	sshll.u32 s31, $0x12;
	s19 =	sshrl.u32 s19, $0x3;
	s14 =	sadd.s32 s14, s16  }
0x15: {  	[tilespmem:s18+$0x0 ss:$0x81] =	vst.msk $0xffff, v0;
	s15 =	sor.u32 $0x400, s15;
	s14 =	sadd.s32 s19, s14  }
0x16: {  	[hbm4b:s14+s15] =	stream.strided.scatter [tilespmem:s17], [sflag:$0x2], $0x1000, s9, s15, $0x20;
	[tilespmem:$0x4040] =	vst v63  }
.LBB1_5:
0x17: {  	s17 =	sadd.s32 $0x1, s10  }
0x18: {  	s14 =	sadd.s32 $0x800, s11;
	s18 =	smov.u32 s11;
	p2 =	sgt.s32 s17, $0xC7  }
0x19: {  	s18 =	smov.u32 @p2 s14  }
0x1a: {  	s20 =	smov.u32 s12;
	s14 =	sadd.s32 $0x2, s12;
	p3 =	sgt.s32 s18, $0xFFF  }
0x1b: {  	s20 =	smov.u32 @p3 s14  }
0x1c: {  	s17 =	simm.s32 @p2 $0x0;
	p2 =	sgt.s32 s20, $0x1  }
0x1d: {  	p1 =	slt.u32 s13, $0x2;
	s20 =	smov.u32 @p2 s2;
	p2 =	sne.s32 s13, s8  }
.Ltmp1:
0x1e: {  	s19 =	simm.s32 @!p1 $0x2;
	(pc) =	sbr.rel @!p2 .LBB1_6-.Ltmp1, $4  }
0x1f: {  	s15 =	smov.u32 s11;
	s16 =	smov.u32 s12;
	_ =	swait.ge @!p1 [sflag:s19], $0x1000  }
0x20: {  	p0 =	por !p0, !p0;
	[sflag:s19] =	ssyncset.done @!p1 $0x0;
	s18 =	smov.u32 @p3 s1  }
0x21: {  	s14 =	smov.u32 s10;
	[sflag:s19] =	ssyncadd.s32 @!p1 $0xFFFFF000;
	s10 =	smov.u32 s17  }
0x22: {  	s11 =	smov.u32 s18;
	s13 =	sadd.s32 $0x1, s13;
	s12 =	smov.u32 s20  }
.LBB1_1:
0x23: {  	p1 =	sge.u32 s13, s6  }
0x24: {  	s17 =	sand.u32 @!p1 $0x1FFFFFF, s10;
	s19 =	smul.u32 @!p1 $0xC80000, s12  }
0x25: {  	s18 =	smulhi.u32 @!p1 $0x147AE15, s17  }
0x26: {  	s21 =	smul.u32 @!p1 $0xC80, s11  }
0x27: {  	s18 =	smul.u32 @!p1 $0xC8, s18  }
0x28: {  	s31 =	sadd.s32 $0xFFFFFFFF, s13;
	s19 =	sadd.s32 @!p1 s7, s19  }
0x29: {  	s20 =	sxor.u32 @!p1 $0xFFFFFFFF, s13;
	s19 =	sadd.s32 @!p1 s21, s19;
	s17 =	ssub.s32 @!p1 s17, s18  }
0x2a: {  	s18 =	sshll.u32 @!p1 s20, $0xC;
	s20 =	simm.s32 @!p1 $0x6400;
	s17 =	sshll.u32 @!p1 s17, $0x4  }
0x2b: {  	s18 =	sand.u32 @!p1 $0x1000, s18;
	s17 =	sadd.s32 @!p1 s17, s19;
	s19 =	simm.s32 @!p1 $0x20  }
0x2c: {  	[tilespmem:s18], [sflag:$0x1] =	stream.strided.gather @!p1 [hbm4b:s17+s19], $0x1000, s20, s19, $0x38;
	[tilespmem:$0x4040] =	vst v63  }
0x2d: {  	p1 =	sge.u32 s31, s6  }
.Ltmp2:
0x2e: {  	_ = 	snop;
	(pc) =	sbr.rel @p1 .LBB1_5-.Ltmp2, $1  }
0x2f: {  	_ =	sdelay $0x3  }
0x30: {  	s17 =	simm.s32 $0x1  }
0x31: {  	_ =	swait.ge [sflag:s5], $0x1000;
	s17 =	simm.s32 @!p0 $0x0  }
0x32: {  	[sflag:s5] =	ssyncset.done $0x0;
	s18 =	sshll.u32 s17, $0xC  }
0x33: {  	[sflag:s5] =	ssyncadd.s32 $0xFFFFF000;
	s21 =	sor.u32 $0x10, s18  }
0x34: {  	s17 =	smul.u32 $0x4080, s17;
	v1 =	vld [tilespmem:s21+$0x0]  }
0x35: {  	s30 =	sand.u32 $0x1, s13;
	v0 =	vld [tilespmem:s21+$0xFFFFFFF0]  }
0x36: {  	s18 =	smul.u32 $0x4080, s30;
	s17 =	sshrl.u32 s17, $0x2  }
0x37: {  	s19 =	sor.u32 $0x2000, s17  }
0x38: {  	s31 =	sshrl.u32 s18, $0x2;
	s18 =	sadd.s32 $0x0, s19  }
0x39: {  	s20 =	simm.s32 $0x4;
	s21 =	sadd.s32 $0x20, s21;
	s17 =	sor.u32 $0x2000, s31;
	[tilespmem:s18+$0x810 ss:$0x81] =	vst.msk $0xffff, v1  }
.LBB1_3:
0x3a: {  	v1 =	vld [tilespmem:s21+$0x0];
	p1 =	sne.s32 s20, $0x1FC;
	[tilespmem:s18+$0x0 ss:$0x81] =	vst.msk $0xffff, v0;
	s18 =	smov.u32 s20;
	s20 =	sadd.s32 $0x4, s20  }
.Ltmp3:
0x3b: {  	v0 =	vld [tilespmem:s21+$0xFFFFFFF0];
	(pc) =	sbr.rel @p1 .LBB1_3-.Ltmp3, $4  }
0x3c: {  	_ = 	snop  }
0x3d: {  	s18 =	sshra.s32 s18, $0x2  }
0x3e: {  	s18 =	sadd.s32 s18, s19  }
0x3f: {  	s21 =	sadd.s32 $0x20, s21;
	[tilespmem:s18+$0x810 ss:$0x81] =	vst.msk $0xffff, v1  }
.Ltmp4:
0x40: {  	_ = 	snop;
	(pc) =	sbr.rel .LBB1_4-.Ltmp4, $1  }
0x41: {  	_ =	sdelay $0x3  }
.LBB1_6:
0x42: {  	_ =	sfence.sel $0x180000  }
0x43: {  	s1 =	simm.s32 $0x1;
	[bflag:$0x0] =	sbarrier.arrive $0xFFFF  }
0x44: {  	s31 =	simm.s32 $0x2;
	[sflag:s1] =	ssyncpa.u1 $0x1  }
0x45: {  	[sflag:s31] =	ssyncpa.u1 $0x1  }
0x46: {  	p0 =	sne.s32 s0, $0x0;
	_ =	strace $0x9000004A  }
0x47: {  	s0 =	sadd.s32 @!p0 $0x100000, s3;
	[bflag:$0x2] =	sbarrier.arrive $0xFFFF  }
0x48: {  	[sflag:s0] =	ssyncadd.tile.s32 @!p0 $0x1;
	_ =	shalt  }
.Lfunc_end1:
_tile_overlayer_lowered:
.L_overlay_start_2:
0x49: {  	(tag) =	ssettag $0x2  }
0x4a: {  	s0 =	rddreg [dreg:$0x0];
	s2 =	stileid.u32  }
0x4b: {  	s1 =	rddreg [dreg:$0x1];
	p0 =	sne.s32 s2, $0x0  }
0x4c: {  	s3 =	rddreg [dreg:$0x2];
	[bflag:$0x3] =	sbarrier.arrive $0xFFFF;
	s2 =	simm.s32 @!p0 $0x1C01  }
0x4d: {  	[timem:s3], [sflag:s2] =	dma.local @!p0 [hbm:s0], s1  }
0x4e: {  	s0 =	simm.s32 @!p0 $0x1  }
0x4f: {  	_ =	swait.ge @!p0 [sflag:s0], s1  }
0x50: {  	s1 =	ssub.s32 @!p0 $0x0, s1;
	[sflag:s0] =	ssyncset.done @!p0 $0x0  }
0x51: {  	[sflag:s0] =	ssyncadd.s32 @!p0 s1  }
0x52: {  	[bflag:$0x3] =	sbarrier.arrive $0xFFFF  }
0x53: {  	_ =	shalt  }

</sc_bundles>
